<compile_context>
chip_gen: v7x
topology: tpu7x:2x2x1
jax: 0.10.2.dev20260603
libtpu: 0.0.44.dev20260713+nightly
codegen_flags: <defaults>
</compile_context>

<pallas_src>
import functools

import jax
import jax.numpy as jnp
from jax import lax
from jax.experimental import pallas as pl
from jax.experimental.pallas import tpu as pltpu
from jax.experimental.pallas import tpu_sc as plsc

K = 8192
D = 32
N = 8192
T = 1024
KT = 2048
COMMITMENT_COST = 0.25

_SC_INFO = plsc.get_sparse_core_info()
_NW = _SC_INFO.num_cores * _SC_INFO.num_subcores
_BPW = N // _NW


def _argmin_kernel(x_ref, emb_ref, xn_ref, en_ref, idx_ref):
    emb = emb_ref[...]
    x = x_ref[...]
    xb = x.astype(jnp.bfloat16)
    e_norm = en_ref[...]
    x_norm = xn_ref[...]
    iota_k = lax.broadcasted_iota(jnp.int32, (1, KT), 1)

    def half_argmin(h0):
        best_d = jnp.full((T, 1), jnp.inf, dtype=jnp.float32)
        best_i = jnp.zeros((T, 1), dtype=jnp.int32)
        for c in range(K // KT // 2):
            k0 = h0 + c * KT
            ec = emb[k0:k0 + KT, :].astype(jnp.bfloat16)
            mm = lax.dot_general(xb, ec, (((1,), (1,)), ((), ())),
                                 preferred_element_type=jnp.float32)
            d = (x_norm + e_norm[:, k0:k0 + KT]) - 2.0 * mm
            lm = jnp.min(d, axis=1, keepdims=True)
            cand = jnp.min(jnp.where(d == lm, iota_k + k0, K),
                           axis=1, keepdims=True)
            upd = lm < best_d
            best_d = jnp.where(upd, lm, best_d)
            best_i = jnp.where(upd, cand, best_i)
        return best_d, best_i

    v_a, i_a = half_argmin(0)
    v_b, i_b = half_argmin(K // 2)
    av_a = v_a.astype(jnp.bfloat16).astype(jnp.float32)
    take_b = (v_b < av_a) | ((v_b == av_a) & (i_b < i_a))
    idx_ref[0, :, :] = jnp.where(take_b, i_b, i_a)


def _encodings_kernel(idx_ref, enc_ref, counts_ref, perp_ref):
    j = pl.program_id(0)
    i = pl.program_id(1)
    idx = idx_ref[0, :, :]
    iota_k = lax.broadcasted_iota(jnp.int32, (1, KT), 1) + i * KT
    sel = (idx == iota_k).astype(jnp.float32)
    enc_ref[...] = sel

    colsum = jnp.sum(sel, axis=0, keepdims=True)
    prev = counts_ref[:, pl.ds(i * KT, KT)]
    counts_ref[:, pl.ds(i * KT, KT)] = jnp.where(j == 0, colsum,
                                                 colsum + prev)

    @pl.when((j == pl.num_programs(0) - 1) & (i == pl.num_programs(1) - 1))
    def _():
        p = counts_ref[...] * (1.0 / N)
        ent = jnp.sum(p * jnp.log(p + 1e-10), axis=(0, 1), keepdims=True)
        perp_ref[...] = jnp.exp(-ent)


def _sc_gather(table_hbm, idx_hbm, x_hbm, qst_hbm, losspart_hbm,
               idx_v, rows_v, x_v, qst_v, acc_v, sem):
    wid = lax.axis_index("s") * _SC_INFO.num_cores + lax.axis_index("c")
    base = wid * _BPW
    for c in range(_BPW // 128):
        pltpu.sync_copy(idx_hbm.at[pl.ds(base + c * 128, 128)], idx_v.at[c])
        pltpu.async_copy(table_hbm.at[idx_v.at[c]],
                         rows_v.at[pl.ds(c * 128, 128), :], sem).wait()
    pltpu.sync_copy(x_hbm.at[pl.ds(base, _BPW), :], x_v)

    def body(r, acc):
        a0, a1 = acc
        q0 = rows_v[r, pl.ds(0, 16)]
        x0 = x_v[r, pl.ds(0, 16)]
        d0 = q0 - x0
        qst_v[r, pl.ds(0, 16)] = x0 + d0
        q1 = rows_v[r, pl.ds(16, 16)]
        x1 = x_v[r, pl.ds(16, 16)]
        d1 = q1 - x1
        qst_v[r, pl.ds(16, 16)] = x1 + d1
        return (a0 + d0 * d0, a1 + d1 * d1)

    z = jnp.zeros((16,), jnp.float32)
    a0, a1 = lax.fori_loop(0, _BPW, body, (z, z))
    acc_v[...] = a0 + a1
    pltpu.sync_copy(qst_v, qst_hbm.at[pl.ds(base, _BPW), :])
    pltpu.sync_copy(acc_v, losspart_hbm.at[wid])


def _loss_kernel(part_ref, loss_ref):
    scale = (1.0 + COMMITMENT_COST) / (N * D)
    loss_ref[...] = jnp.sum(part_ref[...], axis=(0, 1),
                            keepdims=True) * scale


def kernel(inputs, embedding):
    input_shape = inputs.shape
    flat = inputs.reshape(N, D)

    x_norm = jnp.sum(flat ** 2, axis=1, keepdims=True)
    e_norm = jnp.sum(embedding ** 2, axis=1)[None, :]

    idx3 = pl.pallas_call(
        _argmin_kernel,
        grid=(N // T,),
        in_specs=[
            pl.BlockSpec((T, D), lambda j: (j, 0)),
            pl.BlockSpec((K, D), lambda j: (0, 0)),
            pl.BlockSpec((T, 1), lambda j: (j, 0)),
            pl.BlockSpec((1, K), lambda j: (0, 0)),
        ],
        out_specs=pl.BlockSpec((1, T, 1), lambda j: (j, 0, 0)),
        out_shape=jax.ShapeDtypeStruct((N // T, T, 1), jnp.int32),
    )(flat, embedding, x_norm, e_norm)

    encodings, counts, perp = pl.pallas_call(
        _encodings_kernel,
        grid=(N // T, K // KT),
        in_specs=[pl.BlockSpec((1, T, 1), lambda j, i: (j, 0, 0))],
        out_specs=[
            pl.BlockSpec((T, KT), lambda j, i: (j, i)),
            pl.BlockSpec((1, K), lambda j, i: (0, 0)),
            pl.BlockSpec((1, 1), lambda j, i: (0, 0)),
        ],
        out_shape=[
            jax.ShapeDtypeStruct((N, K), jnp.float32),
            jax.ShapeDtypeStruct((1, K), jnp.float32),
            jax.ShapeDtypeStruct((1, 1), jnp.float32),
        ],
    )(idx3)

    original_indices = idx3.reshape(N)
    table = jnp.pad(embedding.astype(jnp.bfloat16).astype(jnp.float32),
                    ((0, 0), (0, 128 - D)))

    sc = functools.partial(
        pl.kernel,
        mesh=plsc.VectorSubcoreMesh(core_axis_name="c", subcore_axis_name="s"),
        out_type=[
            jax.ShapeDtypeStruct((N, D), jnp.float32),
            jax.ShapeDtypeStruct((_NW, 16), jnp.float32),
        ],
        scratch_types=[
            pltpu.VMEM((_BPW // 128, 128), jnp.int32),
            pltpu.VMEM((_BPW, 128), jnp.float32),
            pltpu.VMEM((_BPW, D), jnp.float32),
            pltpu.VMEM((_BPW, D), jnp.float32),
            pltpu.VMEM((16,), jnp.float32),
            pltpu.SemaphoreType.DMA,
        ],
    )(_sc_gather)
    quantized_st, loss_parts = sc(table, original_indices, flat)

    loss = pl.pallas_call(
        _loss_kernel,
        out_shape=jax.ShapeDtypeStruct((1, 1), jnp.float32),
    )(loss_parts)

    vq_loss = loss[0, 0]
    perplexity = perp[0, 0]
    return (vq_loss, quantized_st.reshape(input_shape), perplexity,
            encodings, original_indices)

# --- scband reference (transcript-rebuilt; emitter-appended) ---
"""Pipeline reference for scband-adaptive-vector-quantizer-ema-20315195310709 (READ-ONLY COPY).

The authoritative reference and input builder live on the scoring server;
editing this copy changes nothing except your own understanding.
"""

import jax, jax.numpy as jnp
import numpy as np

K = 8192
D = 32
COMMITMENT_COST = 0.25


def setup_inputs(seed: int = 0) -> dict:
    key = jax.random.key(seed)
    k1, k2 = jax.random.split(key)
    inputs = jax.random.normal(k1, (8, 1024, D), dtype=jnp.float32)
    # nn.Embedding weight initialized uniform(-1/K, 1/K)
    embedding = jax.random.uniform(k2, (K, D), minval=-1.0 / K, maxval=1.0 / K, dtype=jnp.float32)
    return {"inputs": inputs, "embedding": embedding}


def reference(inputs, embedding):
    # eval-mode forward of AdaptiveVectorQuantizerEMA; all codes active initially
    input_shape = inputs.shape
    flat_input = inputs.reshape(-1, D)
    # distances = ||x||^2 + ||e||^2 - 2 x e^T
    distances = (jnp.sum(flat_input ** 2, axis=1, keepdims=True)
                 + jnp.sum(embedding ** 2, axis=1)
                 - 2.0 * jnp.matmul(flat_input, embedding.T))
    encoding_indices = jnp.argmin(distances, axis=1)
    original_indices = encoding_indices  # active_indices == arange(K)
    # one-hot scatter (torch: encodings.scatter_(1, idx, 1))
    encodings = jax.nn.one_hot(original_indices, K, dtype=jnp.float32)
    quantized = jnp.matmul(encodings, embedding).reshape(input_shape)
    e_latent_loss = jnp.mean((jax.lax.stop_gradient(quantized) - inputs) ** 2)
    q_latent_loss = jnp.mean((quantized - jax.lax.stop_gradient(inputs)) ** 2)
    vq_loss = q_latent_loss + COMMITMENT_COST * e_latent_loss
    # straight-through estimator
    quantized_st = inputs + jax.lax.stop_gradient(quantized - inputs)
    avg_probs = jnp.mean(encodings, axis=0)
    perplexity = jnp.exp(-jnp.sum(avg_probs * jnp.log(avg_probs + 1e-10)))
    return (vq_loss, quantized_st, perplexity, encodings, original_indices)

if __name__ == "__main__":
    import jax
    _d = setup_inputs()
    print(jax.jit(kernel)(*tuple(_d.values())))

</pallas_src>

<mosaic_0001>
#map = affine_map<(d0, d1) -> (0, 0)>
#map1 = affine_map<(d0, d1) -> (0)>
module attributes {stable_mosaic.version = 14 : i64} {
  func.func @_sc_gather(%arg0: i32, %arg1: i32, %arg2: memref<8192x128xf32, #tpu.memory_space<hbm>>, %arg3: memref<8192xi32, #tpu.memory_space<hbm>>, %arg4: memref<8192x32xf32, #tpu.memory_space<hbm>>, %arg5: memref<8192x32xf32, #tpu.memory_space<hbm>>, %arg6: memref<32x16xf32, #tpu.memory_space<hbm>>, %arg7: memref<2x128xi32, #tpu.memory_space<vmem>>, %arg8: memref<256x128xf32, #tpu.memory_space<vmem>>, %arg9: memref<256x32xf32, #tpu.memory_space<vmem>>, %arg10: memref<256x32xf32, #tpu.memory_space<vmem>>, %arg11: memref<16xf32, #tpu.memory_space<vmem>>, %arg12: memref<!tpu.dma_semaphore, #tpu.memory_space<semaphore_mem>>) attributes {dimension_semantics = [#tpu.dimension_semantics<core_parallel>, #tpu.dimension_semantics<subcore_parallel>], iteration_bounds = array<i64: 2, 16>, scalar_prefetch = 0 : i64, scratch_operands = 6 : i64, tpu.core_type = #tpu.core_type<sc_vector_subcore>, window_params = [{transform_indices = #map}, {transform_indices = #map1}, {transform_indices = #map}, {transform_indices = #map}, {transform_indices = #map}]} {
    %mul3A = arith.constant 2 : i32
    %mul3A_0 = arith.muli %arg1, %mul3A : i32
    %add3A = arith.addi %mul3A_0, %arg0 : i32
    %mul3A_1 = arith.constant 256 : i32
    %mul3A_2 = arith.muli %add3A, %mul3A_1 : i32
    %add3A_3 = arith.constant 0 : i32
    %add3A_4 = arith.addi %mul3A_2, %add3A_3 : i32
    %run_scoped3A = arith.constant 0 : i32
    "tpu.region"() ({
      %run_scoped3A_56 = tpu.sem_alloc : memref<!tpu.dma_semaphore, #tpu.memory_space<semaphore_mem>>
      %dma_start3A_57 = arith.constant 0 : i32
      %dma_start3A_58 = tpu.memref_slice %arg7[%run_scoped3A, %dma_start3A_57] : memref<2x128xi32, #tpu.memory_space<vmem>> -> memref<1x128xi32, #tpu.memory_space<vmem>>
      %dma_start3A_59 = tpu.memref_squeeze %dma_start3A_58 : memref<1x128xi32, #tpu.memory_space<vmem>> -> memref<128xi32, #tpu.memory_space<vmem>>
      %dma_start3A_60 = tpu.memref_slice %arg3[%add3A_4] : memref<8192xi32, #tpu.memory_space<hbm>> -> memref<128xi32, #tpu.memory_space<hbm>>
      %dma_start3A_61 = arith.constant 0 : i32
      %dma_start3A_62 = tpu.memref_slice %arg7[%run_scoped3A, %dma_start3A_61] : memref<2x128xi32, #tpu.memory_space<vmem>> -> memref<1x128xi32, #tpu.memory_space<vmem>>
      %dma_start3A_63 = tpu.memref_squeeze %dma_start3A_62 : memref<1x128xi32, #tpu.memory_space<vmem>> -> memref<128xi32, #tpu.memory_space<vmem>>
      %dma_start3A_64 = tpu.memref_slice %arg3[%add3A_4] : memref<8192xi32, #tpu.memory_space<hbm>> -> memref<128xi32, #tpu.memory_space<hbm>>
      tpu.enqueue_dma source(%dma_start3A_64 : memref<128xi32, #tpu.memory_space<hbm>>) target(%dma_start3A_63 : memref<128xi32, #tpu.memory_space<vmem>>) target_semaphore(%run_scoped3A_56 : memref<!tpu.dma_semaphore, #tpu.memory_space<semaphore_mem>>)
      %dma_wait3A_65 = arith.constant 0 : i32
      %dma_wait3A_66 = tpu.memref_slice %arg7[%run_scoped3A, %dma_wait3A_65] : memref<2x128xi32, #tpu.memory_space<vmem>> -> memref<1x128xi32, #tpu.memory_space<vmem>>
      %dma_wait3A_67 = tpu.memref_squeeze %dma_wait3A_66 : memref<1x128xi32, #tpu.memory_space<vmem>> -> memref<128xi32, #tpu.memory_space<vmem>>
      %dma_wait3A_68 = tpu.memref_slice %arg3[%add3A_4] : memref<8192xi32, #tpu.memory_space<hbm>> -> memref<128xi32, #tpu.memory_space<hbm>>
      %dma_wait3A_69 = arith.constant 0 : i32
      %dma_wait3A_70 = tpu.memref_slice %arg7[%run_scoped3A, %dma_wait3A_69] : memref<2x128xi32, #tpu.memory_space<vmem>> -> memref<1x128xi32, #tpu.memory_space<vmem>>
      %dma_wait3A_71 = tpu.memref_squeeze %dma_wait3A_70 : memref<1x128xi32, #tpu.memory_space<vmem>> -> memref<128xi32, #tpu.memory_space<vmem>>
      %dma_wait3A_72 = tpu.memref_slice %arg3[%add3A_4] : memref<8192xi32, #tpu.memory_space<hbm>> -> memref<128xi32, #tpu.memory_space<hbm>>
      tpu.wait_dma2 semaphore(%run_scoped3A_56 : memref<!tpu.dma_semaphore, #tpu.memory_space<semaphore_mem>>) src(%dma_wait3A_72 : memref<128xi32, #tpu.memory_space<hbm>>) dst(%dma_wait3A_71 : memref<128xi32, #tpu.memory_space<vmem>>)
      tpu.yield
    }) : () -> ()
    %dma_start3A = arith.constant 0 : i32
    %dma_start3A_5 = arith.constant 0 : i32
    %dma_start3A_6 = arith.constant 0 : i32
    %dma_start3A_7 = tpu.memref_slice %arg8[%dma_start3A_5, %dma_start3A_6] : memref<256x128xf32, #tpu.memory_space<vmem>> -> memref<128x128xf32, #tpu.memory_space<vmem>>
    %dma_start3A_8 = arith.constant 0 : i32
    %dma_start3A_9 = tpu.memref_slice %arg7[%dma_start3A, %dma_start3A_8] : memref<2x128xi32, #tpu.memory_space<vmem>> -> memref<1x128xi32, #tpu.memory_space<vmem>>
    %dma_start3A_10 = tpu.memref_squeeze %dma_start3A_9 : memref<1x128xi32, #tpu.memory_space<vmem>> -> memref<128xi32, #tpu.memory_space<vmem>>
    %dma_start3A_11 = arith.constant 0 : i32
    %dma_start3A_12 = arith.constant 0 : i32
    %dma_start3A_13 = tpu.memref_slice %arg2[%dma_start3A_11, %dma_start3A_12] : memref<8192x128xf32, #tpu.memory_space<hbm>> -> memref<8192x128xf32, #tpu.memory_space<hbm>>
    tpu.enqueue_indirect_dma source(%dma_start3A_13 : memref<8192x128xf32, #tpu.memory_space<hbm>>) target(%dma_start3A_7 : memref<128x128xf32, #tpu.memory_space<vmem>>) offsets(%dma_start3A_10 : memref<128xi32, #tpu.memory_space<vmem>>) semaphore(%arg12 : memref<!tpu.dma_semaphore, #tpu.memory_space<semaphore_mem>>)
    %dma_wait3A = arith.constant 0 : i32
    %dma_wait3A_14 = arith.constant 0 : i32
    %dma_wait3A_15 = arith.constant 0 : i32
    %dma_wait3A_16 = tpu.memref_slice %arg8[%dma_wait3A_14, %dma_wait3A_15] : memref<256x128xf32, #tpu.memory_space<vmem>> -> memref<128x128xf32, #tpu.memory_space<vmem>>
    %dma_wait3A_17 = arith.constant 0 : i32
    %dma_wait3A_18 = tpu.memref_slice %arg7[%dma_wait3A, %dma_wait3A_17] : memref<2x128xi32, #tpu.memory_space<vmem>> -> memref<1x128xi32, #tpu.memory_space<vmem>>
    %dma_wait3A_19 = tpu.memref_squeeze %dma_wait3A_18 : memref<1x128xi32, #tpu.memory_space<vmem>> -> memref<128xi32, #tpu.memory_space<vmem>>
    %dma_wait3A_20 = arith.constant 0 : i32
    %dma_wait3A_21 = arith.constant 0 : i32
    %dma_wait3A_22 = tpu.memref_slice %arg2[%dma_wait3A_20, %dma_wait3A_21] : memref<8192x128xf32, #tpu.memory_space<hbm>> -> memref<8192x128xf32, #tpu.memory_space<hbm>>
    tpu.wait_indirect_dma semaphore(%arg12 : memref<!tpu.dma_semaphore, #tpu.memory_space<semaphore_mem>>) src(%dma_wait3A_22 : memref<8192x128xf32, #tpu.memory_space<hbm>>) dst(%dma_wait3A_16 : memref<128x128xf32, #tpu.memory_space<vmem>>)
    %add3A_23 = arith.constant 128 : i32
    %add3A_24 = arith.addi %mul3A_2, %add3A_23 : i32
    %run_scoped3A_25 = arith.constant 1 : i32
    "tpu.region"() ({
      %run_scoped3A_56 = tpu.sem_alloc : memref<!tpu.dma_semaphore, #tpu.memory_space<semaphore_mem>>
      %dma_start3A_57 = arith.constant 0 : i32
      %dma_start3A_58 = tpu.memref_slice %arg7[%run_scoped3A_25, %dma_start3A_57] : memref<2x128xi32, #tpu.memory_space<vmem>> -> memref<1x128xi32, #tpu.memory_space<vmem>>
      %dma_start3A_59 = tpu.memref_squeeze %dma_start3A_58 : memref<1x128xi32, #tpu.memory_space<vmem>> -> memref<128xi32, #tpu.memory_space<vmem>>
      %dma_start3A_60 = tpu.memref_slice %arg3[%add3A_24] : memref<8192xi32, #tpu.memory_space<hbm>> -> memref<128xi32, #tpu.memory_space<hbm>>
      %dma_start3A_61 = arith.constant 0 : i32
      %dma_start3A_62 = tpu.memref_slice %arg7[%run_scoped3A_25, %dma_start3A_61] : memref<2x128xi32, #tpu.memory_space<vmem>> -> memref<1x128xi32, #tpu.memory_space<vmem>>
      %dma_start3A_63 = tpu.memref_squeeze %dma_start3A_62 : memref<1x128xi32, #tpu.memory_space<vmem>> -> memref<128xi32, #tpu.memory_space<vmem>>
      %dma_start3A_64 = tpu.memref_slice %arg3[%add3A_24] : memref<8192xi32, #tpu.memory_space<hbm>> -> memref<128xi32, #tpu.memory_space<hbm>>
      tpu.enqueue_dma source(%dma_start3A_64 : memref<128xi32, #tpu.memory_space<hbm>>) target(%dma_start3A_63 : memref<128xi32, #tpu.memory_space<vmem>>) target_semaphore(%run_scoped3A_56 : memref<!tpu.dma_semaphore, #tpu.memory_space<semaphore_mem>>)
      %dma_wait3A_65 = arith.constant 0 : i32
      %dma_wait3A_66 = tpu.memref_slice %arg7[%run_scoped3A_25, %dma_wait3A_65] : memref<2x128xi32, #tpu.memory_space<vmem>> -> memref<1x128xi32, #tpu.memory_space<vmem>>
      %dma_wait3A_67 = tpu.memref_squeeze %dma_wait3A_66 : memref<1x128xi32, #tpu.memory_space<vmem>> -> memref<128xi32, #tpu.memory_space<vmem>>
      %dma_wait3A_68 = tpu.memref_slice %arg3[%add3A_24] : memref<8192xi32, #tpu.memory_space<hbm>> -> memref<128xi32, #tpu.memory_space<hbm>>
      %dma_wait3A_69 = arith.constant 0 : i32
      %dma_wait3A_70 = tpu.memref_slice %arg7[%run_scoped3A_25, %dma_wait3A_69] : memref<2x128xi32, #tpu.memory_space<vmem>> -> memref<1x128xi32, #tpu.memory_space<vmem>>
      %dma_wait3A_71 = tpu.memref_squeeze %dma_wait3A_70 : memref<1x128xi32, #tpu.memory_space<vmem>> -> memref<128xi32, #tpu.memory_space<vmem>>
      %dma_wait3A_72 = tpu.memref_slice %arg3[%add3A_24] : memref<8192xi32, #tpu.memory_space<hbm>> -> memref<128xi32, #tpu.memory_space<hbm>>
      tpu.wait_dma2 semaphore(%run_scoped3A_56 : memref<!tpu.dma_semaphore, #tpu.memory_space<semaphore_mem>>) src(%dma_wait3A_72 : memref<128xi32, #tpu.memory_space<hbm>>) dst(%dma_wait3A_71 : memref<128xi32, #tpu.memory_space<vmem>>)
      tpu.yield
    }) : () -> ()
    %dma_start3A_26 = arith.constant 1 : i32
    %dma_start3A_27 = arith.constant 128 : i32
    %dma_start3A_28 = arith.constant 0 : i32
    %dma_start3A_29 = tpu.memref_slice %arg8[%dma_start3A_27, %dma_start3A_28] : memref<256x128xf32, #tpu.memory_space<vmem>> -> memref<128x128xf32, #tpu.memory_space<vmem>>
    %dma_start3A_30 = arith.constant 0 : i32
    %dma_start3A_31 = tpu.memref_slice %arg7[%dma_start3A_26, %dma_start3A_30] : memref<2x128xi32, #tpu.memory_space<vmem>> -> memref<1x128xi32, #tpu.memory_space<vmem>>
    %dma_start3A_32 = tpu.memref_squeeze %dma_start3A_31 : memref<1x128xi32, #tpu.memory_space<vmem>> -> memref<128xi32, #tpu.memory_space<vmem>>
    %dma_start3A_33 = arith.constant 0 : i32
    %dma_start3A_34 = arith.constant 0 : i32
    %dma_start3A_35 = tpu.memref_slice %arg2[%dma_start3A_33, %dma_start3A_34] : memref<8192x128xf32, #tpu.memory_space<hbm>> -> memref<8192x128xf32, #tpu.memory_space<hbm>>
    tpu.enqueue_indirect_dma source(%dma_start3A_35 : memref<8192x128xf32, #tpu.memory_space<hbm>>) target(%dma_start3A_29 : memref<128x128xf32, #tpu.memory_space<vmem>>) offsets(%dma_start3A_32 : memref<128xi32, #tpu.memory_space<vmem>>) semaphore(%arg12 : memref<!tpu.dma_semaphore, #tpu.memory_space<semaphore_mem>>)
    %dma_wait3A_36 = arith.constant 1 : i32
    %dma_wait3A_37 = arith.constant 128 : i32
    %dma_wait3A_38 = arith.constant 0 : i32
    %dma_wait3A_39 = tpu.memref_slice %arg8[%dma_wait3A_37, %dma_wait3A_38] : memref<256x128xf32, #tpu.memory_space<vmem>> -> memref<128x128xf32, #tpu.memory_space<vmem>>
    %dma_wait3A_40 = arith.constant 0 : i32
    %dma_wait3A_41 = tpu.memref_slice %arg7[%dma_wait3A_36, %dma_wait3A_40] : memref<2x128xi32, #tpu.memory_space<vmem>> -> memref<1x128xi32, #tpu.memory_space<vmem>>
    %dma_wait3A_42 = tpu.memref_squeeze %dma_wait3A_41 : memref<1x128xi32, #tpu.memory_space<vmem>> -> memref<128xi32, #tpu.memory_space<vmem>>
    %dma_wait3A_43 = arith.constant 0 : i32
    %dma_wait3A_44 = arith.constant 0 : i32
    %dma_wait3A_45 = tpu.memref_slice %arg2[%dma_wait3A_43, %dma_wait3A_44] : memref<8192x128xf32, #tpu.memory_space<hbm>> -> memref<8192x128xf32, #tpu.memory_space<hbm>>
    tpu.wait_indirect_dma semaphore(%arg12 : memref<!tpu.dma_semaphore, #tpu.memory_space<semaphore_mem>>) src(%dma_wait3A_45 : memref<8192x128xf32, #tpu.memory_space<hbm>>) dst(%dma_wait3A_39 : memref<128x128xf32, #tpu.memory_space<vmem>>)
    "tpu.region"() ({
      %run_scoped3A_56 = tpu.sem_alloc : memref<!tpu.dma_semaphore, #tpu.memory_space<semaphore_mem>>
      %dma_start3A_57 = arith.constant 0 : i32
      %dma_start3A_58 = tpu.memref_slice %arg4[%mul3A_2, %dma_start3A_57] : memref<8192x32xf32, #tpu.memory_space<hbm>> -> memref<256x32xf32, #tpu.memory_space<hbm>>
      %dma_start3A_59 = arith.constant 0 : i32
      %dma_start3A_60 = tpu.memref_slice %arg4[%mul3A_2, %dma_start3A_59] : memref<8192x32xf32, #tpu.memory_space<hbm>> -> memref<256x32xf32, #tpu.memory_space<hbm>>
      tpu.enqueue_dma source(%dma_start3A_60 : memref<256x32xf32, #tpu.memory_space<hbm>>) target(%arg9 : memref<256x32xf32, #tpu.memory_space<vmem>>) target_semaphore(%run_scoped3A_56 : memref<!tpu.dma_semaphore, #tpu.memory_space<semaphore_mem>>)
      %dma_wait3A_61 = arith.constant 0 : i32
      %dma_wait3A_62 = tpu.memref_slice %arg4[%mul3A_2, %dma_wait3A_61] : memref<8192x32xf32, #tpu.memory_space<hbm>> -> memref<256x32xf32, #tpu.memory_space<hbm>>
      %dma_wait3A_63 = arith.constant 0 : i32
      %dma_wait3A_64 = tpu.memref_slice %arg4[%mul3A_2, %dma_wait3A_63] : memref<8192x32xf32, #tpu.memory_space<hbm>> -> memref<256x32xf32, #tpu.memory_space<hbm>>
      tpu.wait_dma2 semaphore(%run_scoped3A_56 : memref<!tpu.dma_semaphore, #tpu.memory_space<semaphore_mem>>) src(%dma_wait3A_64 : memref<256x32xf32, #tpu.memory_space<hbm>>) dst(%arg9 : memref<256x32xf32, #tpu.memory_space<vmem>>)
      tpu.yield
    }) : () -> ()
    %broadcast_in_dim3A = arith.constant 0.000000e+00 : f32
    %broadcast_in_dim3A_46 = vector.broadcast %broadcast_in_dim3A : f32 to vector<16xf32>
    %scan3A = arith.constant 0 : i32
    %scan3A_47 = arith.constant 256 : i32
    %scan3A_48 = arith.addi %scan3A, %scan3A_47 : i32
    %scan3A_49 = arith.constant 1 : i32
    %scan3A_50:2 = scf.for %scan3A_56 = %scan3A to %scan3A_48 step %scan3A_49 iter_args(%scan3A_57 = %broadcast_in_dim3A_46, %scan3A_58 = %broadcast_in_dim3A_46) -> (vector<16xf32>, vector<16xf32>)  : i32 {
      %get3A = arith.index_cast %scan3A_56 : i32 to index
      %get3A_59 = arith.constant 0 : index
      %get3A_60 = tpu.vector_load %arg8[%get3A, %get3A_59] {strides = array<i32>} : memref<256x128xf32, #tpu.memory_space<vmem>>, vector<1x16xf32>,
      %get3A_61 = vector.shape_cast %get3A_60 : vector<1x16xf32> to vector<16xf32>
      %get3A_62 = arith.index_cast %scan3A_56 : i32 to index
      %get3A_63 = arith.constant 0 : index
      %get3A_64 = tpu.vector_load %arg9[%get3A_62, %get3A_63] {strides = array<i32>} : memref<256x32xf32, #tpu.memory_space<vmem>>, vector<1x16xf32>,
      %get3A_65 = vector.shape_cast %get3A_64 : vector<1x16xf32> to vector<16xf32>
      %sub3A = arith.subf %get3A_61, %get3A_65 : vector<16xf32>
      %add3A_66 = arith.addf %get3A_65, %sub3A : vector<16xf32>
      %swap3A_67 = arith.index_cast %scan3A_56 : i32 to index
      %swap3A_68 = arith.constant 0 : index
      %swap3A_69 = tpu.vector_load %arg10[%swap3A_67, %swap3A_68] {strides = array<i32>} : memref<256x32xf32, #tpu.memory_space<vmem>>, vector<1x16xf32>,
      %swap3A_70 = vector.shape_cast %swap3A_69 : vector<1x16xf32> to vector<16xf32>
      %swap3A_71 = vector.shape_cast %add3A_66 : vector<16xf32> to vector<1x16xf32>
      tpu.vector_store %arg10[%swap3A_67, %swap3A_68], %swap3A_71 {strides = array<i32>} : memref<256x32xf32, #tpu.memory_space<vmem>>, vector<1x16xf32>,
      %get3A_72 = arith.index_cast %scan3A_56 : i32 to index
      %get3A_73 = arith.constant 16 : index
      %get3A_74 = tpu.vector_load %arg8[%get3A_72, %get3A_73] {strides = array<i32>} : memref<256x128xf32, #tpu.memory_space<vmem>>, vector<1x16xf32>,
      %get3A_75 = vector.shape_cast %get3A_74 : vector<1x16xf32> to vector<16xf32>
      %get3A_76 = arith.index_cast %scan3A_56 : i32 to index
      %get3A_77 = arith.constant 16 : index
      %get3A_78 = tpu.vector_load %arg9[%get3A_76, %get3A_77] {strides = array<i32>} : memref<256x32xf32, #tpu.memory_space<vmem>>, vector<1x16xf32>,
      %get3A_79 = vector.shape_cast %get3A_78 : vector<1x16xf32> to vector<16xf32>
      %sub3A_80 = arith.subf %get3A_75, %get3A_79 : vector<16xf32>
      %add3A_81 = arith.addf %get3A_79, %sub3A_80 : vector<16xf32>
      %swap3A_82 = arith.index_cast %scan3A_56 : i32 to index
      %swap3A_83 = arith.constant 16 : index
      %swap3A_84 = tpu.vector_load %arg10[%swap3A_82, %swap3A_83] {strides = array<i32>} : memref<256x32xf32, #tpu.memory_space<vmem>>, vector<1x16xf32>,
      %swap3A_85 = vector.shape_cast %swap3A_84 : vector<1x16xf32> to vector<16xf32>
      %swap3A_86 = vector.shape_cast %add3A_81 : vector<16xf32> to vector<1x16xf32>
      tpu.vector_store %arg10[%swap3A_82, %swap3A_83], %swap3A_86 {strides = array<i32>} : memref<256x32xf32, #tpu.memory_space<vmem>>, vector<1x16xf32>,
      %mul3A_87 = arith.mulf %sub3A, %sub3A : vector<16xf32>
      %add3A_88 = arith.addf %scan3A_57, %mul3A_87 : vector<16xf32>
      %mul3A_89 = arith.mulf %sub3A_80, %sub3A_80 : vector<16xf32>
      %add3A_90 = arith.addf %scan3A_58, %mul3A_89 : vector<16xf32>
      scf.yield %add3A_88, %add3A_90 : vector<16xf32>, vector<16xf32>
    }
    %scan3A_51 = arith.constant 256 : i32
    %add3A_52 = arith.addf %scan3A_50#0, %scan3A_50#1 : vector<16xf32>
    %swap3A = arith.constant 0 : index
    %swap3A_53 = tpu.vector_load %arg11[%swap3A] {strides = array<i32>} : memref<16xf32, #tpu.memory_space<vmem>>, vector<16xf32>,
    %swap3A_54 = vector.shape_cast %swap3A_53 : vector<16xf32> to vector<16xf32>
    %swap3A_55 = vector.shape_cast %add3A_52 : vector<16xf32> to vector<16xf32>
    tpu.vector_store %arg11[%swap3A], %swap3A_55 {strides = array<i32>} : memref<16xf32, #tpu.memory_space<vmem>>, vector<16xf32>,
    "tpu.region"() ({
      %run_scoped3A_56 = tpu.sem_alloc : memref<!tpu.dma_semaphore, #tpu.memory_space<semaphore_mem>>
      %dma_start3A_57 = arith.constant 0 : i32
      %dma_start3A_58 = tpu.memref_slice %arg5[%mul3A_2, %dma_start3A_57] : memref<8192x32xf32, #tpu.memory_space<hbm>> -> memref<256x32xf32, #tpu.memory_space<hbm>>
      %dma_start3A_59 = arith.constant 0 : i32
      %dma_start3A_60 = tpu.memref_slice %arg5[%mul3A_2, %dma_start3A_59] : memref<8192x32xf32, #tpu.memory_space<hbm>> -> memref<256x32xf32, #tpu.memory_space<hbm>>
      tpu.enqueue_dma source(%arg10 : memref<256x32xf32, #tpu.memory_space<vmem>>) target(%dma_start3A_60 : memref<256x32xf32, #tpu.memory_space<hbm>>) target_semaphore(%run_scoped3A_56 : memref<!tpu.dma_semaphore, #tpu.memory_space<semaphore_mem>>)
      %dma_wait3A_61 = arith.constant 0 : i32
      %dma_wait3A_62 = tpu.memref_slice %arg5[%mul3A_2, %dma_wait3A_61] : memref<8192x32xf32, #tpu.memory_space<hbm>> -> memref<256x32xf32, #tpu.memory_space<hbm>>
      %dma_wait3A_63 = arith.constant 0 : i32
      %dma_wait3A_64 = tpu.memref_slice %arg5[%mul3A_2, %dma_wait3A_63] : memref<8192x32xf32, #tpu.memory_space<hbm>> -> memref<256x32xf32, #tpu.memory_space<hbm>>
      tpu.wait_dma2 semaphore(%run_scoped3A_56 : memref<!tpu.dma_semaphore, #tpu.memory_space<semaphore_mem>>) src(%arg10 : memref<256x32xf32, #tpu.memory_space<vmem>>) dst(%dma_wait3A_64 : memref<256x32xf32, #tpu.memory_space<hbm>>)
      tpu.yield
    }) : () -> ()
    "tpu.region"() ({
      %run_scoped3A_56 = tpu.sem_alloc : memref<!tpu.dma_semaphore, #tpu.memory_space<semaphore_mem>>
      %dma_start3A_57 = arith.constant 0 : i32
      %dma_start3A_58 = tpu.memref_slice %arg6[%add3A, %dma_start3A_57] : memref<32x16xf32, #tpu.memory_space<hbm>> -> memref<1x16xf32, #tpu.memory_space<hbm>>
      %dma_start3A_59 = tpu.memref_squeeze %dma_start3A_58 : memref<1x16xf32, #tpu.memory_space<hbm>> -> memref<16xf32, #tpu.memory_space<hbm>>
      %dma_start3A_60 = arith.constant 0 : i32
      %dma_start3A_61 = tpu.memref_slice %arg6[%add3A, %dma_start3A_60] : memref<32x16xf32, #tpu.memory_space<hbm>> -> memref<1x16xf32, #tpu.memory_space<hbm>>
      %dma_start3A_62 = tpu.memref_squeeze %dma_start3A_61 : memref<1x16xf32, #tpu.memory_space<hbm>> -> memref<16xf32, #tpu.memory_space<hbm>>
      tpu.enqueue_dma source(%arg11 : memref<16xf32, #tpu.memory_space<vmem>>) target(%dma_start3A_62 : memref<16xf32, #tpu.memory_space<hbm>>) target_semaphore(%run_scoped3A_56 : memref<!tpu.dma_semaphore, #tpu.memory_space<semaphore_mem>>)
      %dma_wait3A_63 = arith.constant 0 : i32
      %dma_wait3A_64 = tpu.memref_slice %arg6[%add3A, %dma_wait3A_63] : memref<32x16xf32, #tpu.memory_space<hbm>> -> memref<1x16xf32, #tpu.memory_space<hbm>>
      %dma_wait3A_65 = tpu.memref_squeeze %dma_wait3A_64 : memref<1x16xf32, #tpu.memory_space<hbm>> -> memref<16xf32, #tpu.memory_space<hbm>>
      %dma_wait3A_66 = arith.constant 0 : i32
      %dma_wait3A_67 = tpu.memref_slice %arg6[%add3A, %dma_wait3A_66] : memref<32x16xf32, #tpu.memory_space<hbm>> -> memref<1x16xf32, #tpu.memory_space<hbm>>
      %dma_wait3A_68 = tpu.memref_squeeze %dma_wait3A_67 : memref<1x16xf32, #tpu.memory_space<hbm>> -> memref<16xf32, #tpu.memory_space<hbm>>
      tpu.wait_dma2 semaphore(%run_scoped3A_56 : memref<!tpu.dma_semaphore, #tpu.memory_space<semaphore_mem>>) src(%arg11 : memref<16xf32, #tpu.memory_space<vmem>>) dst(%dma_wait3A_68 : memref<16xf32, #tpu.memory_space<hbm>>)
      tpu.yield
    }) : () -> ()
    return
  }
}

module attributes {stable_mosaic.version = 14 : i64} {
  func.func @_argmin_kernel(%arg0: i32, %arg1: memref<1024x32xf32, #tpu.memory_space<vmem>>, %arg2: memref<8192x32xf32, #tpu.memory_space<vmem>>, %arg3: memref<1024x1xf32, #tpu.memory_space<vmem>>, %arg4: memref<1x8192xf32, #tpu.memory_space<vmem>>, %arg5: memref<1x1024x1xi32, #tpu.memory_space<vmem>>) attributes {dimension_semantics = [#tpu.dimension_semantics<arbitrary>], iteration_bounds = array<i64: 8>, scalar_prefetch = 0 : i64, scratch_operands = 0 : i64, tpu.core_type = #tpu.core_type<tc>, window_params = [{transform_indices = @transform_0, window_bounds = array<i64: 1024, 32>}, {pipeline_mode = #tpu.pipeline_mode<synchronous>, transform_indices = @transform_1, window_bounds = array<i64: 8192, 32>}, {transform_indices = @transform_2, window_bounds = array<i64: 1024, 1>}, {pipeline_mode = #tpu.pipeline_mode<synchronous>, transform_indices = @transform_3, window_bounds = array<i64: 1, 8192>}, {transform_indices = @transform_4, window_bounds = array<i64: 1, 1024, 1>}]} {
    %get3A = arith.constant 0 : index
    %get3A_0 = arith.constant 0 : index
    %get3A_1 = vector.load %arg2[%get3A, %get3A_0] : memref<8192x32xf32, #tpu.memory_space<vmem>>, vector<8192x32xf32>
    %get3A_2 = arith.constant 0 : index
    %get3A_3 = arith.constant 0 : index
    %get3A_4 = vector.load %arg1[%get3A_2, %get3A_3] : memref<1024x32xf32, #tpu.memory_space<vmem>>, vector<1024x32xf32>
    %convert_element_type3A = arith.truncf %get3A_4 : vector<1024x32xf32> to vector<1024x32xbf16>
    %get3A_5 = arith.constant 0 : index
    %get3A_6 = arith.constant 0 : index
    %get3A_7 = vector.load %arg4[%get3A_5, %get3A_6] : memref<1x8192xf32, #tpu.memory_space<vmem>>, vector<1x8192xf32>
    %get3A_8 = arith.constant 0 : index
    %get3A_9 = arith.constant 0 : index
    %get3A_10 = vector.load %arg3[%get3A_8, %get3A_9] : memref<1024x1xf32, #tpu.memory_space<vmem>>, vector<1024x1xf32>
    %iota3A = tpu.iota {dimensions = array<i32: 1>} : vector<1x2048xi32>
    %broadcast_in_dim3A = arith.constant 0x7F800000 : f32
    %broadcast_in_dim3A_11 = vector.broadcast %broadcast_in_dim3A : f32 to vector<1024x1xf32>
    %broadcast_in_dim3A_12 = arith.constant 0 : i32
    %broadcast_in_dim3A_13 = vector.broadcast %broadcast_in_dim3A_12 : i32 to vector<1024x1xi32>
    %slice3A = vector.extract_strided_slice %get3A_1 {offsets = [0, 0], sizes = [2048, 32], strides = [1, 1]} : vector<8192x32xf32> to vector<2048x32xf32>
    %convert_element_type3A_14 = arith.truncf %slice3A : vector<2048x32xf32> to vector<2048x32xbf16>
    %dot_general3A = arith.constant dense<0.000000e+00> : vector<1024x2048xf32>
    %dot_general3A_15 = tpu.matmul %convert_element_type3A, %convert_element_type3A_14, %dot_general3A {dimension_numbers = #tpu.dot_dimension_numbers<[1], [1], [0], [0], [0, 0, 1, 0], [], []>, transpose_lhs_hint = false} : vector<1024x32xbf16>, vector<2048x32xbf16>, vector<1024x2048xf32> -> vector<1024x2048xf32>
    %slice3A_16 = vector.extract_strided_slice %get3A_7 {offsets = [0, 0], sizes = [1, 2048], strides = [1, 1]} : vector<1x8192xf32> to vector<1x2048xf32>
    %add3A = vector.broadcast %get3A_10 : vector<1024x1xf32> to vector<1024x2048xf32>
    %add3A_17 = vector.broadcast %slice3A_16 : vector<1x2048xf32> to vector<1024x2048xf32>
    %add3A_18 = arith.addf %add3A, %add3A_17 : vector<1024x2048xf32>
    %mul3A = arith.constant 2.000000e+00 : f32
    %mul3A_19 = vector.broadcast %mul3A : f32 to vector<1024x2048xf32>
    %mul3A_20 = arith.mulf %mul3A_19, %dot_general3A_15 : vector<1024x2048xf32>
    %sub3A = arith.subf %add3A_18, %mul3A_20 : vector<1024x2048xf32>
    %reduce_min3A = arith.constant dense<0x7F800000> : vector<1024xf32>
    %reduce_min3A_21 = vector.multi_reduction <minimumf>, %sub3A, %reduce_min3A [1] : vector<1024x2048xf32> to vector<1024xf32>
    %broadcast_in_dim3A_22 = vector.shape_cast %reduce_min3A_21 : vector<1024xf32> to vector<1024x1xf32>
    %eq3A = vector.broadcast %broadcast_in_dim3A_22 : vector<1024x1xf32> to vector<1024x2048xf32>
    %eq3A_23 = arith.cmpf oeq, %sub3A, %eq3A : vector<1024x2048xf32>
    %add3A_24 = arith.constant 0 : i32
    %add3A_25 = vector.broadcast %add3A_24 : i32 to vector<1x2048xi32>
    %add3A_26 = arith.addi %iota3A, %add3A_25 : vector<1x2048xi32>
    %jit3A = arith.constant 8192 : i32
    %broadcast_in_dim3A_27 = vector.shape_cast %add3A_26 : vector<1x2048xi32> to vector<1x2048xi32>
    %broadcast_in_dim3A_28 = vector.broadcast %broadcast_in_dim3A_27 : vector<1x2048xi32> to vector<1024x2048xi32>
    %broadcast_in_dim3A_29 = vector.broadcast %jit3A : i32 to vector<1024x2048xi32>
    %select_n3A = arith.select %eq3A_23, %broadcast_in_dim3A_28, %broadcast_in_dim3A_29 : vector<1024x2048xi1>, vector<1024x2048xi32>
    %reduce_min3A_30 = arith.constant dense<2147483647> : vector<1024xi32>
    %reduce_min3A_31 = vector.multi_reduction <minsi>, %select_n3A, %reduce_min3A_30 [1] : vector<1024x2048xi32> to vector<1024xi32>
    %broadcast_in_dim3A_32 = vector.shape_cast %reduce_min3A_31 : vector<1024xi32> to vector<1024x1xi32>
    %lt3A = arith.cmpf olt, %broadcast_in_dim3A_22, %broadcast_in_dim3A_11 : vector<1024x1xf32>
    %select_n3A_33 = arith.select %lt3A, %broadcast_in_dim3A_22, %broadcast_in_dim3A_11 : vector<1024x1xi1>, vector<1024x1xf32>
    %select_n3A_34 = arith.select %lt3A, %broadcast_in_dim3A_32, %broadcast_in_dim3A_13 : vector<1024x1xi1>, vector<1024x1xi32>
    %slice3A_35 = vector.extract_strided_slice %get3A_1 {offsets = [2048, 0], sizes = [2048, 32], strides = [1, 1]} : vector<8192x32xf32> to vector<2048x32xf32>
    %convert_element_type3A_36 = arith.truncf %slice3A_35 : vector<2048x32xf32> to vector<2048x32xbf16>
    %dot_general3A_37 = arith.constant dense<0.000000e+00> : vector<1024x2048xf32>
    %dot_general3A_38 = tpu.matmul %convert_element_type3A, %convert_element_type3A_36, %dot_general3A_37 {dimension_numbers = #tpu.dot_dimension_numbers<[1], [1], [0], [0], [0, 0, 1, 0], [], []>, transpose_lhs_hint = false} : vector<1024x32xbf16>, vector<2048x32xbf16>, vector<1024x2048xf32> -> vector<1024x2048xf32>
    %slice3A_39 = vector.extract_strided_slice %get3A_7 {offsets = [0, 2048], sizes = [1, 2048], strides = [1, 1]} : vector<1x8192xf32> to vector<1x2048xf32>
    %add3A_40 = vector.broadcast %get3A_10 : vector<1024x1xf32> to vector<1024x2048xf32>
    %add3A_41 = vector.broadcast %slice3A_39 : vector<1x2048xf32> to vector<1024x2048xf32>
    %add3A_42 = arith.addf %add3A_40, %add3A_41 : vector<1024x2048xf32>
    %mul3A_43 = arith.constant 2.000000e+00 : f32
    %mul3A_44 = vector.broadcast %mul3A_43 : f32 to vector<1024x2048xf32>
    %mul3A_45 = arith.mulf %mul3A_44, %dot_general3A_38 : vector<1024x2048xf32>
    %sub3A_46 = arith.subf %add3A_42, %mul3A_45 : vector<1024x2048xf32>
    %reduce_min3A_47 = arith.constant dense<0x7F800000> : vector<1024xf32>
    %reduce_min3A_48 = vector.multi_reduction <minimumf>, %sub3A_46, %reduce_min3A_47 [1] : vector<1024x2048xf32> to vector<1024xf32>
    %broadcast_in_dim3A_49 = vector.shape_cast %reduce_min3A_48 : vector<1024xf32> to vector<1024x1xf32>
    %eq3A_50 = vector.broadcast %broadcast_in_dim3A_49 : vector<1024x1xf32> to vector<1024x2048xf32>
    %eq3A_51 = arith.cmpf oeq, %sub3A_46, %eq3A_50 : vector<1024x2048xf32>
    %add3A_52 = arith.constant 2048 : i32
    %add3A_53 = vector.broadcast %add3A_52 : i32 to vector<1x2048xi32>
    %add3A_54 = arith.addi %iota3A, %add3A_53 : vector<1x2048xi32>
    %jit3A_55 = arith.constant 8192 : i32
    %broadcast_in_dim3A_56 = vector.shape_cast %add3A_54 : vector<1x2048xi32> to vector<1x2048xi32>
    %broadcast_in_dim3A_57 = vector.broadcast %broadcast_in_dim3A_56 : vector<1x2048xi32> to vector<1024x2048xi32>
    %broadcast_in_dim3A_58 = vector.broadcast %jit3A_55 : i32 to vector<1024x2048xi32>
    %select_n3A_59 = arith.select %eq3A_51, %broadcast_in_dim3A_57, %broadcast_in_dim3A_58 : vector<1024x2048xi1>, vector<1024x2048xi32>
    %reduce_min3A_60 = arith.constant dense<2147483647> : vector<1024xi32>
    %reduce_min3A_61 = vector.multi_reduction <minsi>, %select_n3A_59, %reduce_min3A_60 [1] : vector<1024x2048xi32> to vector<1024xi32>
    %broadcast_in_dim3A_62 = vector.shape_cast %reduce_min3A_61 : vector<1024xi32> to vector<1024x1xi32>
    %lt3A_63 = arith.cmpf olt, %broadcast_in_dim3A_49, %select_n3A_33 : vector<1024x1xf32>
    %select_n3A_64 = arith.select %lt3A_63, %broadcast_in_dim3A_49, %select_n3A_33 : vector<1024x1xi1>, vector<1024x1xf32>
    %select_n3A_65 = arith.select %lt3A_63, %broadcast_in_dim3A_62, %select_n3A_34 : vector<1024x1xi1>, vector<1024x1xi32>
    %broadcast_in_dim3A_66 = arith.constant 0x7F800000 : f32
    %broadcast_in_dim3A_67 = vector.broadcast %broadcast_in_dim3A_66 : f32 to vector<1024x1xf32>
    %broadcast_in_dim3A_68 = arith.constant 0 : i32
    %broadcast_in_dim3A_69 = vector.broadcast %broadcast_in_dim3A_68 : i32 to vector<1024x1xi32>
    %slice3A_70 = vector.extract_strided_slice %get3A_1 {offsets = [4096, 0], sizes = [2048, 32], strides = [1, 1]} : vector<8192x32xf32> to vector<2048x32xf32>
    %convert_element_type3A_71 = arith.truncf %slice3A_70 : vector<2048x32xf32> to vector<2048x32xbf16>
    %dot_general3A_72 = arith.constant dense<0.000000e+00> : vector<1024x2048xf32>
    %dot_general3A_73 = tpu.matmul %convert_element_type3A, %convert_element_type3A_71, %dot_general3A_72 {dimension_numbers = #tpu.dot_dimension_numbers<[1], [1], [0], [0], [0, 0, 1, 0], [], []>, transpose_lhs_hint = false} : vector<1024x32xbf16>, vector<2048x32xbf16>, vector<1024x2048xf32> -> vector<1024x2048xf32>
    %slice3A_74 = vector.extract_strided_slice %get3A_7 {offsets = [0, 4096], sizes = [1, 2048], strides = [1, 1]} : vector<1x8192xf32> to vector<1x2048xf32>
    %add3A_75 = vector.broadcast %get3A_10 : vector<1024x1xf32> to vector<1024x2048xf32>
    %add3A_76 = vector.broadcast %slice3A_74 : vector<1x2048xf32> to vector<1024x2048xf32>
    %add3A_77 = arith.addf %add3A_75, %add3A_76 : vector<1024x2048xf32>
    %mul3A_78 = arith.constant 2.000000e+00 : f32
    %mul3A_79 = vector.broadcast %mul3A_78 : f32 to vector<1024x2048xf32>
    %mul3A_80 = arith.mulf %mul3A_79, %dot_general3A_73 : vector<1024x2048xf32>
    %sub3A_81 = arith.subf %add3A_77, %mul3A_80 : vector<1024x2048xf32>
    %reduce_min3A_82 = arith.constant dense<0x7F800000> : vector<1024xf32>
    %reduce_min3A_83 = vector.multi_reduction <minimumf>, %sub3A_81, %reduce_min3A_82 [1] : vector<1024x2048xf32> to vector<1024xf32>
    %broadcast_in_dim3A_84 = vector.shape_cast %reduce_min3A_83 : vector<1024xf32> to vector<1024x1xf32>
    %eq3A_85 = vector.broadcast %broadcast_in_dim3A_84 : vector<1024x1xf32> to vector<1024x2048xf32>
    %eq3A_86 = arith.cmpf oeq, %sub3A_81, %eq3A_85 : vector<1024x2048xf32>
    %add3A_87 = arith.constant 4096 : i32
    %add3A_88 = vector.broadcast %add3A_87 : i32 to vector<1x2048xi32>
    %add3A_89 = arith.addi %iota3A, %add3A_88 : vector<1x2048xi32>
    %jit3A_90 = arith.constant 8192 : i32
    %broadcast_in_dim3A_91 = vector.shape_cast %add3A_89 : vector<1x2048xi32> to vector<1x2048xi32>
    %broadcast_in_dim3A_92 = vector.broadcast %broadcast_in_dim3A_91 : vector<1x2048xi32> to vector<1024x2048xi32>
    %broadcast_in_dim3A_93 = vector.broadcast %jit3A_90 : i32 to vector<1024x2048xi32>
    %select_n3A_94 = arith.select %eq3A_86, %broadcast_in_dim3A_92, %broadcast_in_dim3A_93 : vector<1024x2048xi1>, vector<1024x2048xi32>
    %reduce_min3A_95 = arith.constant dense<2147483647> : vector<1024xi32>
    %reduce_min3A_96 = vector.multi_reduction <minsi>, %select_n3A_94, %reduce_min3A_95 [1] : vector<1024x2048xi32> to vector<1024xi32>
    %broadcast_in_dim3A_97 = vector.shape_cast %reduce_min3A_96 : vector<1024xi32> to vector<1024x1xi32>
    %lt3A_98 = arith.cmpf olt, %broadcast_in_dim3A_84, %broadcast_in_dim3A_67 : vector<1024x1xf32>
    %select_n3A_99 = arith.select %lt3A_98, %broadcast_in_dim3A_84, %broadcast_in_dim3A_67 : vector<1024x1xi1>, vector<1024x1xf32>
    %select_n3A_100 = arith.select %lt3A_98, %broadcast_in_dim3A_97, %broadcast_in_dim3A_69 : vector<1024x1xi1>, vector<1024x1xi32>
    %slice3A_101 = vector.extract_strided_slice %get3A_1 {offsets = [6144, 0], sizes = [2048, 32], strides = [1, 1]} : vector<8192x32xf32> to vector<2048x32xf32>
    %convert_element_type3A_102 = arith.truncf %slice3A_101 : vector<2048x32xf32> to vector<2048x32xbf16>
    %dot_general3A_103 = arith.constant dense<0.000000e+00> : vector<1024x2048xf32>
    %dot_general3A_104 = tpu.matmul %convert_element_type3A, %convert_element_type3A_102, %dot_general3A_103 {dimension_numbers = #tpu.dot_dimension_numbers<[1], [1], [0], [0], [0, 0, 1, 0], [], []>, transpose_lhs_hint = false} : vector<1024x32xbf16>, vector<2048x32xbf16>, vector<1024x2048xf32> -> vector<1024x2048xf32>
    %slice3A_105 = vector.extract_strided_slice %get3A_7 {offsets = [0, 6144], sizes = [1, 2048], strides = [1, 1]} : vector<1x8192xf32> to vector<1x2048xf32>
    %add3A_106 = vector.broadcast %get3A_10 : vector<1024x1xf32> to vector<1024x2048xf32>
    %add3A_107 = vector.broadcast %slice3A_105 : vector<1x2048xf32> to vector<1024x2048xf32>
    %add3A_108 = arith.addf %add3A_106, %add3A_107 : vector<1024x2048xf32>
    %mul3A_109 = arith.constant 2.000000e+00 : f32
    %mul3A_110 = vector.broadcast %mul3A_109 : f32 to vector<1024x2048xf32>
    %mul3A_111 = arith.mulf %mul3A_110, %dot_general3A_104 : vector<1024x2048xf32>
    %sub3A_112 = arith.subf %add3A_108, %mul3A_111 : vector<1024x2048xf32>
    %reduce_min3A_113 = arith.constant dense<0x7F800000> : vector<1024xf32>
    %reduce_min3A_114 = vector.multi_reduction <minimumf>, %sub3A_112, %reduce_min3A_113 [1] : vector<1024x2048xf32> to vector<1024xf32>
    %broadcast_in_dim3A_115 = vector.shape_cast %reduce_min3A_114 : vector<1024xf32> to vector<1024x1xf32>
    %eq3A_116 = vector.broadcast %broadcast_in_dim3A_115 : vector<1024x1xf32> to vector<1024x2048xf32>
    %eq3A_117 = arith.cmpf oeq, %sub3A_112, %eq3A_116 : vector<1024x2048xf32>
    %add3A_118 = arith.constant 6144 : i32
    %add3A_119 = vector.broadcast %add3A_118 : i32 to vector<1x2048xi32>
    %add3A_120 = arith.addi %iota3A, %add3A_119 : vector<1x2048xi32>
    %jit3A_121 = arith.constant 8192 : i32
    %broadcast_in_dim3A_122 = vector.shape_cast %add3A_120 : vector<1x2048xi32> to vector<1x2048xi32>
    %broadcast_in_dim3A_123 = vector.broadcast %broadcast_in_dim3A_122 : vector<1x2048xi32> to vector<1024x2048xi32>
    %broadcast_in_dim3A_124 = vector.broadcast %jit3A_121 : i32 to vector<1024x2048xi32>
    %select_n3A_125 = arith.select %eq3A_117, %broadcast_in_dim3A_123, %broadcast_in_dim3A_124 : vector<1024x2048xi1>, vector<1024x2048xi32>
    %reduce_min3A_126 = arith.constant dense<2147483647> : vector<1024xi32>
    %reduce_min3A_127 = vector.multi_reduction <minsi>, %select_n3A_125, %reduce_min3A_126 [1] : vector<1024x2048xi32> to vector<1024xi32>
    %broadcast_in_dim3A_128 = vector.shape_cast %reduce_min3A_127 : vector<1024xi32> to vector<1024x1xi32>
    %lt3A_129 = arith.cmpf olt, %broadcast_in_dim3A_115, %select_n3A_99 : vector<1024x1xf32>
    %select_n3A_130 = arith.select %lt3A_129, %broadcast_in_dim3A_115, %select_n3A_99 : vector<1024x1xi1>, vector<1024x1xf32>
    %select_n3A_131 = arith.select %lt3A_129, %broadcast_in_dim3A_128, %select_n3A_100 : vector<1024x1xi1>, vector<1024x1xi32>
    %convert_element_type3A_132 = arith.truncf %select_n3A_64 : vector<1024x1xf32> to vector<1024x1xbf16>
    %convert_element_type3A_133 = arith.extf %convert_element_type3A_132 : vector<1024x1xbf16> to vector<1024x1xf32>
    %lt3A_134 = arith.cmpf olt, %select_n3A_130, %convert_element_type3A_133 : vector<1024x1xf32>
    %eq3A_135 = arith.cmpf oeq, %select_n3A_130, %convert_element_type3A_133 : vector<1024x1xf32>
    %lt3A_136 = arith.cmpi slt, %select_n3A_131, %select_n3A_65 : vector<1024x1xi32>
    %and3A = arith.andi %eq3A_135, %lt3A_136 : vector<1024x1xi1>
    %or3A = arith.ori %lt3A_134, %and3A : vector<1024x1xi1>
    %select_n3A_137 = arith.select %or3A, %select_n3A_131, %select_n3A_65 : vector<1024x1xi1>, vector<1024x1xi32>
    %swap3A = arith.constant 0 : index
    %swap3A_138 = arith.constant 0 : index
    %swap3A_139 = arith.constant 0 : index
    %swap3A_140 = vector.load %arg5[%swap3A, %swap3A_138, %swap3A_139] : memref<1x1024x1xi32, #tpu.memory_space<vmem>>, vector<1x1024x1xi32>
    %swap3A_141 = vector.shape_cast %swap3A_140 : vector<1x1024x1xi32> to vector<1024x1xi32>
    %swap3A_142 = vector.shape_cast %select_n3A_137 : vector<1024x1xi32> to vector<1x1024x1xi32>
    tpu.vector_store %arg5[%swap3A, %swap3A_138, %swap3A_139], %swap3A_142 {strides = array<i32>} : memref<1x1024x1xi32, #tpu.memory_space<vmem>>, vector<1x1024x1xi32>,
    return
  }
  func.func @transform_0(%arg0: i32) -> (i32, i32) {
    %c0_i32 = arith.constant 0 : i32
    %c0_i32_0 = arith.constant 0 : i32
    return %arg0, %c0_i32 : i32, i32
  }
  func.func @transform_1(%arg0: i32) -> (i32, i32) {
    %c0_i32 = arith.constant 0 : i32
    %c0_i32_0 = arith.constant 0 : i32
    %c0_i32_1 = arith.constant 0 : i32
    return %c0_i32, %c0_i32_0 : i32, i32
  }
  func.func @transform_2(%arg0: i32) -> (i32, i32) {
    %c0_i32 = arith.constant 0 : i32
    %c0_i32_0 = arith.constant 0 : i32
    return %arg0, %c0_i32 : i32, i32
  }
  func.func @transform_3(%arg0: i32) -> (i32, i32) {
    %c0_i32 = arith.constant 0 : i32
    %c0_i32_0 = arith.constant 0 : i32
    %c0_i32_1 = arith.constant 0 : i32
    return %c0_i32, %c0_i32_0 : i32, i32
  }
  func.func @transform_4(%arg0: i32) -> (i32, i32, i32) {
    %c0_i32 = arith.constant 0 : i32
    %c0_i32_0 = arith.constant 0 : i32
    %c0_i32_1 = arith.constant 0 : i32
    return %arg0, %c0_i32, %c0_i32_0 : i32, i32, i32
  }
}

module attributes {stable_mosaic.version = 14 : i64} {
  func.func @_encodings_kernel(%arg0: i32, %arg1: i32, %arg2: memref<1x1024x1xi32, #tpu.memory_space<vmem>>, %arg3: memref<1024x2048xf32, #tpu.memory_space<vmem>>, %arg4: memref<1x8192xf32, #tpu.memory_space<vmem>>, %arg5: memref<1x1xf32, #tpu.memory_space<vmem>>) attributes {dimension_semantics = [#tpu.dimension_semantics<arbitrary>, #tpu.dimension_semantics<arbitrary>], iteration_bounds = array<i64: 8, 4>, scalar_prefetch = 0 : i64, scratch_operands = 0 : i64, tpu.core_type = #tpu.core_type<tc>, window_params = [{transform_indices = @transform_0, window_bounds = array<i64: 1, 1024, 1>}, {transform_indices = @transform_1, window_bounds = array<i64: 1024, 2048>}, {pipeline_mode = #tpu.pipeline_mode<synchronous>, transform_indices = @transform_2, window_bounds = array<i64: 1, 8192>}, {pipeline_mode = #tpu.pipeline_mode<synchronous>, transform_indices = @transform_3, window_bounds = array<i64: 1, 1>}]} {
    %get3A = arith.constant 0 : index
    %get3A_0 = arith.constant 0 : index
    %get3A_1 = arith.constant 0 : index
    %get3A_2 = vector.load %arg2[%get3A, %get3A_0, %get3A_1] : memref<1x1024x1xi32, #tpu.memory_space<vmem>>, vector<1x1024x1xi32>
    %get3A_3 = vector.shape_cast %get3A_2 : vector<1x1024x1xi32> to vector<1024x1xi32>
    %iota3A = tpu.iota {dimensions = array<i32: 1>} : vector<1x2048xi32>
    %mul3A = arith.constant 2048 : i32
    %mul3A_4 = arith.muli %arg1, %mul3A : i32
    %add3A = vector.broadcast %mul3A_4 : i32 to vector<1x2048xi32>
    %add3A_5 = arith.addi %iota3A, %add3A : vector<1x2048xi32>
    %eq3A = vector.broadcast %get3A_3 : vector<1024x1xi32> to vector<1024x2048xi32>
    %eq3A_6 = vector.broadcast %add3A_5 : vector<1x2048xi32> to vector<1024x2048xi32>
    %eq3A_7 = arith.cmpi eq, %eq3A, %eq3A_6 : vector<1024x2048xi32>
    %convert_element_type3A = arith.extui %eq3A_7 : vector<1024x2048xi1> to vector<1024x2048xi32>
    %convert_element_type3A_8 = arith.sitofp %convert_element_type3A : vector<1024x2048xi32> to vector<1024x2048xf32>
    %swap3A = arith.constant 0 : index
    %swap3A_9 = arith.constant 0 : index
    %swap3A_10 = vector.load %arg3[%swap3A, %swap3A_9] : memref<1024x2048xf32, #tpu.memory_space<vmem>>, vector<1024x2048xf32>
    tpu.vector_store %arg3[%swap3A, %swap3A_9], %convert_element_type3A_8 {strides = array<i32>} : memref<1024x2048xf32, #tpu.memory_space<vmem>>, vector<1024x2048xf32>,
    %reduce_sum3A = arith.constant dense<0.000000e+00> : vector<2048xf32>
    %reduce_sum3A_11 = vector.multi_reduction <add>, %convert_element_type3A_8, %reduce_sum3A [0] : vector<1024x2048xf32> to vector<2048xf32>
    %broadcast_in_dim3A = vector.shape_cast %reduce_sum3A_11 : vector<2048xf32> to vector<1x2048xf32>
    %mul3A_12 = arith.constant 2048 : i32
    %mul3A_13 = arith.muli %arg1, %mul3A_12 : i32
    %get3A_14 = arith.constant 0 : index
    %get3A_15 = arith.index_cast %mul3A_13 : i32 to index
    %get3A_16 = vector.load %arg4[%get3A_14, %get3A_15] : memref<1x8192xf32, #tpu.memory_space<vmem>>, vector<1x2048xf32>
    %eq3A_17 = arith.constant 0 : i32
    %eq3A_18 = arith.cmpi eq, %arg0, %eq3A_17 : i32
    %add3A_19 = arith.addf %broadcast_in_dim3A, %get3A_16 : vector<1x2048xf32>
    %select_n3A = arith.select %eq3A_18, %broadcast_in_dim3A, %add3A_19 : vector<1x2048xf32>
    %mul3A_20 = arith.constant 2048 : i32
    %mul3A_21 = arith.muli %arg1, %mul3A_20 : i32
    %swap3A_22 = arith.constant 0 : index
    %swap3A_23 = arith.index_cast %mul3A_21 : i32 to index
    %swap3A_24 = vector.load %arg4[%swap3A_22, %swap3A_23] : memref<1x8192xf32, #tpu.memory_space<vmem>>, vector<1x2048xf32>
    tpu.vector_store %arg4[%swap3A_22, %swap3A_23], %select_n3A {strides = array<i32>} : memref<1x8192xf32, #tpu.memory_space<vmem>>, vector<1x2048xf32>,
    %eq3A_25 = arith.constant 7 : i32
    %eq3A_26 = arith.cmpi eq, %arg0, %eq3A_25 : i32
    %eq3A_27 = arith.constant 3 : i32
    %eq3A_28 = arith.cmpi eq, %arg1, %eq3A_27 : i32
    %and3A = arith.andi %eq3A_26, %eq3A_28 : i1
    %convert_element_type3A_29 = arith.extui %and3A : i1 to i32
    %cond3A = arith.constant 0 : i32
    %cond3A_30 = arith.cmpi ne, %convert_element_type3A_29, %cond3A : i32
    scf.if %cond3A_30 {
      %get3A_31 = arith.constant 0 : index
      %get3A_32 = arith.constant 0 : index
      %get3A_33 = vector.load %arg4[%get3A_31, %get3A_32] : memref<1x8192xf32, #tpu.memory_space<vmem>>, vector<1x8192xf32>
      %mul3A_34 = arith.constant 1.22070313E-4 : f32
      %mul3A_35 = vector.broadcast %mul3A_34 : f32 to vector<1x8192xf32>
      %mul3A_36 = arith.mulf %get3A_33, %mul3A_35 : vector<1x8192xf32>
      %add3A_37 = arith.constant 1.000000e-10 : f32
      %add3A_38 = vector.broadcast %add3A_37 : f32 to vector<1x8192xf32>
      %add3A_39 = arith.addf %mul3A_36, %add3A_38 : vector<1x8192xf32>
      %log3A = math.log %add3A_39 : vector<1x8192xf32>
      %mul3A_40 = arith.mulf %mul3A_36, %log3A : vector<1x8192xf32>
      %reduce_sum3A_41 = vector.shape_cast %mul3A_40 : vector<1x8192xf32> to vector<1x1x8192xf32>
      %reduce_sum3A_42 = arith.constant dense<0.000000e+00> : vector<1xf32>
      %reduce_sum3A_43 = vector.multi_reduction <add>, %reduce_sum3A_41, %reduce_sum3A_42 [1, 2] : vector<1x1x8192xf32> to vector<1xf32>
      %reduce_sum3A_44 = vector.shape_cast %reduce_sum3A_43 : vector<1xf32> to vector<1x1x1xf32>
      %reduce_sum3A_45 = vector.extract %reduce_sum3A_44[0, 0, 0] : f32 from vector<1x1x1xf32>
      %broadcast_in_dim3A_46 = vector.broadcast %reduce_sum3A_45 : f32 to vector<1x1xf32>
      %neg3A = arith.constant 0.000000e+00 : f32
      %neg3A_47 = vector.broadcast %neg3A : f32 to vector<1x1xf32>
      %neg3A_48 = arith.subf %neg3A_47, %broadcast_in_dim3A_46 : vector<1x1xf32>
      %exp3A = math.exp %neg3A_48 : vector<1x1xf32>
      %swap3A_49 = arith.constant 0 : index
      %swap3A_50 = arith.constant 0 : index
      %swap3A_51 = vector.load %arg5[%swap3A_49, %swap3A_50] : memref<1x1xf32, #tpu.memory_space<vmem>>, vector<1x1xf32>
      tpu.vector_store %arg5[%swap3A_49, %swap3A_50], %exp3A {strides = array<i32>} : memref<1x1xf32, #tpu.memory_space<vmem>>, vector<1x1xf32>,
    } else {
    }
    return
  }
  func.func @transform_0(%arg0: i32, %arg1: i32) -> (i32, i32, i32) {
    %c0_i32 = arith.constant 0 : i32
    %c0_i32_0 = arith.constant 0 : i32
    %c0_i32_1 = arith.constant 0 : i32
    return %arg0, %c0_i32, %c0_i32_0 : i32, i32, i32
  }
  func.func @transform_1(%arg0: i32, %arg1: i32) -> (i32, i32) {
    %c0_i32 = arith.constant 0 : i32
    return %arg0, %arg1 : i32, i32
  }
  func.func @transform_2(%arg0: i32, %arg1: i32) -> (i32, i32) {
    %c0_i32 = arith.constant 0 : i32
    %c0_i32_0 = arith.constant 0 : i32
    %c0_i32_1 = arith.constant 0 : i32
    return %c0_i32, %c0_i32_0 : i32, i32
  }
  func.func @transform_3(%arg0: i32, %arg1: i32) -> (i32, i32) {
    %c0_i32 = arith.constant 0 : i32
    %c0_i32_0 = arith.constant 0 : i32
    %c0_i32_1 = arith.constant 0 : i32
    return %c0_i32, %c0_i32_0 : i32, i32
  }
}

module attributes {stable_mosaic.version = 14 : i64} {
  func.func @_loss_kernel(%arg0: memref<32x16xf32, #tpu.memory_space<vmem>>, %arg1: memref<1x1xf32, #tpu.memory_space<vmem>>) attributes {dimension_semantics = [], scalar_prefetch = 0 : i64, scratch_operands = 0 : i64, tpu.core_type = #tpu.core_type<tc>} {
    %get3A = arith.constant 0 : index
    %get3A_0 = arith.constant 0 : index
    %get3A_1 = vector.load %arg0[%get3A, %get3A_0] : memref<32x16xf32, #tpu.memory_space<vmem>>, vector<32x16xf32>
    %reduce_sum3A = vector.shape_cast %get3A_1 : vector<32x16xf32> to vector<1x32x16xf32>
    %reduce_sum3A_2 = arith.constant dense<0.000000e+00> : vector<1xf32>
    %reduce_sum3A_3 = vector.multi_reduction <add>, %reduce_sum3A, %reduce_sum3A_2 [1, 2] : vector<1x32x16xf32> to vector<1xf32>
    %reduce_sum3A_4 = vector.shape_cast %reduce_sum3A_3 : vector<1xf32> to vector<1x1x1xf32>
    %reduce_sum3A_5 = vector.extract %reduce_sum3A_4[0, 0, 0] : f32 from vector<1x1x1xf32>
    %broadcast_in_dim3A = vector.broadcast %reduce_sum3A_5 : f32 to vector<1x1xf32>
    %mul3A = arith.constant 4.76837158E-6 : f32
    %mul3A_6 = vector.broadcast %mul3A : f32 to vector<1x1xf32>
    %mul3A_7 = arith.mulf %broadcast_in_dim3A, %mul3A_6 : vector<1x1xf32>
    %swap3A = arith.constant 0 : index
    %swap3A_8 = arith.constant 0 : index
    %swap3A_9 = vector.load %arg1[%swap3A, %swap3A_8] : memref<1x1xf32, #tpu.memory_space<vmem>>, vector<1x1xf32>
    tpu.vector_store %arg1[%swap3A, %swap3A_8], %mul3A_7 {strides = array<i32>} : memref<1x1xf32, #tpu.memory_space<vmem>>, vector<1x1xf32>,
    return
  }
}

</mosaic_0001>

<sc_bundles>
// kernel: kernel.6.cloned.1.call-start
scs
__scs_entry_jumppad:
0x0: {  	(pc) =	sbr.rel $0x88, $3  }
0x1: {  	(tag) =	ssettag $0x0;
	lr =	simm.s32 $0x1  }
0x2: {  	[smem:$0x3F9F] =	sst lr;
	_ =	strace $0xD0000000  }
0x3: {  	_ = 	snop  }
0x4: {  	_ = 	snop  }
0x5: {  	_ = 	snop  }
0x6: {  	_ = 	snop  }
0x7: {  	_ = 	snop  }
__scs_overlays_trampoline_lowered:
0x8: {  	[smem:$0x3FAE] =	sst s0  }
0x9: {  	[smem:$0x3FAF] =	sst s1  }
0xa: {  	[smem:$0x3FB0] =	sst s2  }
0xb: {  	[smem:$0x3FB1] =	sst s3  }
0xc: {  	[smem:$0x3FB2] =	sst s4  }
0xd: {  	[smem:$0x3FB3] =	sst s5  }
0xe: {  	[smem:$0x3FB4] =	sst s6  }
0xf: {  	[smem:$0x3FB5] =	sst s7  }
0x10: {  	[smem:$0x3FB6] =	sst s8  }
0x11: {  	[smem:$0x3FB7] =	sst s9;
	s0 =	simm.s32 @!p0 $0x0  }
0x12: {  	s1 =	sld [smem:$0x3F9D];
	s0 =	simm.s32 @p0 $0x1  }
0x13: {  	[smem:$0x3FB8] =	sst s0;
	s0 =	simm.s32 @!p1 $0x0  }
0x14: {  	s2 =	sld [smem:$0x3F9C];
	s0 =	simm.s32 @p1 $0x1  }
0x15: {  	[smem:$0x3FB9] =	sst s0;
	s0 =	simm.s32 @!p2 $0x0  }
0x16: {  	s3 =	sld [smem:$0x3FDB];
	s0 =	simm.s32 @p2 $0x1  }
0x17: {  	s4 =	simm.s32 $0x1BF5;
	[smem:$0x3FBB] =	sst s0  }
0x18: {  	s0 =	sld [smem:$0x3F9E];
	_ =	swait.ge [sflag:s4], $0x0  }
0x19: {  	s7 =	sld [smem:$0x3F9F]  }
0x1a: {  	s8 =	sadd.s32 $0xFFFFE003, lr  }
0x1b: {  	s9 =	sadd.s32 $0xFFFFFEF7, lr;
	s5 =	simm.s32 $0xFFFFFFFF;
	p2 =	slt.u32 s8, $0xFFFFF086  }
0x1c: {  	p1 =	slt.u32 s9, $0xF7A;
	s5 =	simm.s32 @!p2 $0x0  }
0x1d: {  	s5 =	simm.s32 @p1 $0x1;
	p0 =	seq.s32 s7, s2  }
0x1e: {  	s7 =	smul.u32 @!p0 $0xF7A, s2;
	p2 =	seq.s32 @!p0 s5, $0x0  }
0x1f: {  	s9 =	smul.u32 $0xF7A, s1;
	s8 =	simm.s32 @!p0 $0x1BF5;
	p2 =	por !p2, p0  }
0x20: {  	[sflag:s8] =	ssyncset.s32 @!p0 $0xFFFFF086;
	s6 =	sadd.s32 @!p0 s3, s7;
	s7 =	simm.s32 @!p0 $0x108  }
0x21: {  	s3 =	sadd.s32 s3, s9;
	s6 =	sadd.s32 @!p0 $0x88, s6;
	s7 =	simm.s32 @p2 $0x1082  }
0x22: {  	[simem:s7], [sflag:s8] =	dma.local @!p0 [hbm:s6], $0xF7A  }
0x23: {  	s9 =	sor.u32 $0xD0000000, s2;
	s6 =	simm.s32 $0x108;
	_ =	swait.ge @!p0 [sflag:s8], $0x0  }
0x24: {  	s3 =	sadd.s32 $0x88, s3;
	s6 =	simm.s32 @!p1 $0x1082;
	[sflag:s4] =	ssyncset.s32 $0xFFFFF086  }
0x25: {  	[simem:s6], [sflag:s4] =	dma.local [hbm:s3], $0xF7A  }
0x26: {  	[smem:$0x3F9F] =	sst s1;
	(tag) =	ssettag s2;
	_ =	strace s9  }
0x27: {  	s1 =	sld [smem:$0x3FAF]  }
0x28: {  	s2 =	sld [smem:$0x3FB0]  }
0x29: {  	s4 =	sld [smem:$0x3FB2]  }
0x2a: {  	p0 =	seq.s32 s5, $0x0;
	s5 =	sld [smem:$0x3FB3]  }
0x2b: {  	s6 =	sld [smem:$0x3FB4]  }
0x2c: {  	s7 =	sld [smem:$0x3FB5]  }
0x2d: {  	s3 =	simm.s32 $0x108;
	s8 =	sld [smem:$0x3FB6]  }
0x2e: {  	s3 =	simm.s32 @!p0 $0x1082;
	s9 =	sld [smem:$0x3FB7]  }
0x2f: {  	lr =	sadd.s32 s0, s3;
	s0 =	sld [smem:$0x3FAE]  }
0x30: {  	s3 =	sld [smem:$0x3FB1]  }
0x31: {  	[smem:$0x3FBA] =	sst s10  }
0x32: {  	s10 =	sld [smem:$0x3FB8];
	_ =	sdelay $0x3  }
0x33: {  	p0 =	seq.s32 s10, $0x1;
	s10 =	sld [smem:$0x3FBA];
	_ =	sdelay $0x3  }
0x34: {  	[smem:$0x3FBA] =	sst s10  }
0x35: {  	s10 =	sld [smem:$0x3FB9];
	_ =	sdelay $0x3  }
0x36: {  	p1 =	seq.s32 s10, $0x1;
	s10 =	sld [smem:$0x3FBA];
	_ =	sdelay $0x3  }
0x37: {  	[smem:$0x3FBA] =	sst s10  }
0x38: {  	s10 =	sld [smem:$0x3FBB]  }
0x39: {  	_ = 	snop;
	(pc) =	sbr.ind lr, $3  }
0x3a: {  	_ = 	snop  }
0x3b: {  	_ = 	snop  }
0x3c: {  	p2 =	seq.s32 s10, $0x1;
	s10 =	sld [smem:$0x3FBA]  }
0x3d: {  	_ =	shalt  }
0x3e: {  	_ =	shalt  }
0x3f: {  	_ =	shalt  }
0x40: {  	_ =	shalt  }
0x41: {  	_ =	shalt  }
0x42: {  	_ =	shalt  }
0x43: {  	_ =	shalt  }
0x44: {  	_ =	shalt  }
0x45: {  	_ =	shalt  }
0x46: {  	_ =	shalt  }
0x47: {  	_ =	shalt  }
0x48: {  	_ =	shalt  }
0x49: {  	_ =	shalt  }
0x4a: {  	_ =	shalt  }
0x4b: {  	_ =	shalt  }
0x4c: {  	_ =	shalt  }
0x4d: {  	_ =	shalt  }
0x4e: {  	_ =	shalt  }
0x4f: {  	_ =	shalt  }
0x50: {  	_ =	shalt  }
0x51: {  	_ =	shalt  }
0x52: {  	_ =	shalt  }
0x53: {  	_ =	shalt  }
0x54: {  	_ =	shalt  }
0x55: {  	_ =	shalt  }
0x56: {  	_ =	shalt  }
0x57: {  	_ =	shalt  }
0x58: {  	_ =	shalt  }
0x59: {  	_ =	shalt  }
0x5a: {  	_ =	shalt  }
0x5b: {  	_ =	shalt  }
0x5c: {  	_ =	shalt  }
0x5d: {  	_ =	shalt  }
0x5e: {  	_ =	shalt  }
0x5f: {  	_ =	shalt  }
0x60: {  	_ =	shalt  }
0x61: {  	_ =	shalt  }
0x62: {  	_ =	shalt  }
0x63: {  	_ =	shalt  }
0x64: {  	_ =	shalt  }
0x65: {  	_ =	shalt  }
0x66: {  	_ =	shalt  }
0x67: {  	_ =	shalt  }
0x68: {  	_ =	shalt  }
0x69: {  	_ =	shalt  }
0x6a: {  	_ =	shalt  }
0x6b: {  	_ =	shalt  }
0x6c: {  	_ =	shalt  }
0x6d: {  	_ =	shalt  }
0x6e: {  	_ =	shalt  }
0x6f: {  	_ =	shalt  }
0x70: {  	_ =	shalt  }
0x71: {  	_ =	shalt  }
0x72: {  	_ =	shalt  }
0x73: {  	_ =	shalt  }
0x74: {  	_ =	shalt  }
0x75: {  	_ =	shalt  }
0x76: {  	_ =	shalt  }
0x77: {  	_ =	shalt  }
0x78: {  	_ =	shalt  }
0x79: {  	_ =	shalt  }
0x7a: {  	_ =	shalt  }
0x7b: {  	_ =	shalt  }
0x7c: {  	_ =	shalt  }
0x7d: {  	_ =	shalt  }
0x7e: {  	_ =	shalt  }
0x7f: {  	_ =	shalt  }
0x80: {  	_ =	shalt  }
0x81: {  	_ =	shalt  }
0x82: {  	_ =	shalt  }
0x83: {  	_ =	shalt  }
0x84: {  	_ =	shalt  }
0x85: {  	_ =	shalt  }
0x86: {  	_ =	shalt  }
0x87: {  	_ =	shalt  }
.Lfunc_end0:
.L_simem_size_0:
called_computation_lowered:
.L_overlay_start_0:
0x88: {  	s2 =	sld [smem:$0x3FD9]  }
0x89: {  	s3 =	sld [smem:$0x3FFE];
	_ =	sdelay $0x1  }
0x8a: {  	s1 =	srdreg.scid  }
0x8b: {  	s0 =	sand.u32 $0x1, s1  }
0x8c: {  	s14 =	sshll.u32 s0, $0xA;
	s2 =	sadd.s32 s3, s2  }
0x8d: {  	s2 =	sadd.s32 s2, s14  }
0x8e: {  	[smem:$0x3FC6] =	sst s2  }
0x8f: {  	_ = 	snop  }
0x90: {  	s2 =	sld [smem:$0x3FD0];
	_ =	sdelay $0x2  }
0x91: {  	s15 =	simm.s32 $0xA;
	s4 =	simm.s32 $0x10  }
0x92: {  	[smem:s4], [sflag:s15] =	dma.local [hbm:s2], $0x1  }
0x93: {  	_ =	swait.eq [sflag:s15], $0x1  }
0x94: {  	[sflag:s15] =	ssyncset.done $0x0  }
0x95: {  	[sflag:s15] =	ssyncadd.s32 $0xFFFFFFFF  }
0x96: {  	s16 =	sld [smem:$0x14];
	(tm) =	ssettm $0x1  }
0x97: {  	s17 =	sld [smem:$0x3FFB];
	_ =	sdelay $0x3  }
0x98: {  	_ =	strace s17  }
0x99: {  	s3 =	sld [smem:$0x3FFC];
	_ =	sdelay $0x3  }
0x9a: {  	_ =	strace s3  }
0x9b: {  	s3 =	sld [smem:$0x3FFD];
	_ =	sdelay $0x3  }
0x9c: {  	_ =	strace s3  }
0x9d: {  	_ =	strace $0x8FFFFFFF  }
0x9e: {  	s18 =	sld [smem:$0x3FDB];
	_ =	sdelay $0x1  }
0x9f: {  	s19 =	simm.s32 $_scs_section_size  }
0xa0: {  	s5 =	simm.s32 $_size__tile_overlayer_lowered;
	s6 =	simm.s32 $_tile_overlayer_lowered  }
0xa1: {  	s22 =	simm.s32 $0x1BFF;
	s21 =	sshll.u32 s6, $0x1;
	s3 =	sadd.s32 s19, s18  }
0xa2: {  	s7 =	simm.s32 $0x0;
	s20 =	sshll.u32 s5, $0x1;
	s5 =	sadd.s32 s21, s3  }
0xa3: {  	[timem:s7], [sflag:s22] =	dma.local [hbm:s5], s20  }
0xa4: {  	_ =	swait.ge [sflag:s22], s20  }
0xa5: {  	s4 =	ssub.s32 $0x0, s20;
	[sflag:s22] =	ssyncset.done $0x0  }
0xa6: {  	[sflag:s22] =	ssyncadd.s32 s4;
	_ =	sdelay $0x1  }
0xa7: {  	s23 =	simm.s32 $0x1B8B  }
0xa8: {  	_ =	swait.ge [sflag:s23], $0x1  }
0xa9: {  	[sflag:s23] =	ssyncset.done $0x0  }
0xaa: {  	s25 =	simm.s32 $0x1B8E;
	s24 =	sld [smem:$0x3FFE];
	[sflag:s23] =	ssyncadd.s32 $0xFFFFFFFF  }
0xab: {  	s26 =	simm.s32 $execute0_lowered;
	[smem:$0x3FD2] =	sst s25  }
0xac: {  	s5 =	sshll.u32 s26, $0x1;
	_ =	strace $0x80000046;
	[dreg:$0x1] =	wrdreg $0xFFFFFFFF  }
0xad: {  	s28 =	simm.s32 $_size_execute0_lowered;
	s3 =	sadd.s32 s3, s5;
	[dreg:$0x0] =	wrdreg $0x0  }
0xae: {  	s5 =	sshll.u32 s28, $0x1;
	[dreg:$0x2] =	wrdreg s3  }
0xaf: {  	[dreg:$0x3] =	wrdreg s5  }
0xb0: {  	[dreg:$0x4] =	wrdreg $0xC0  }
0xb1: {  	_ =	task [dreg:s7], $0x5FFFF  }
0xb2: {  	[dreg:$0x1] =	wrdreg $0xFFFFFFFF  }
0xb3: {  	[dreg:$0x0] =	wrdreg $0x60  }
0xb4: {  	[dreg:$0x2] =	wrdreg s24  }
0xb5: {  	[dreg:$0x3] =	wrdreg s16  }
0xb6: {  	[dreg:$0x4] =	wrdreg $0x9  }
0xb7: {  	_ =	task.clear_ibuf [dreg:s7], $0x5FFFF;
	_ =	strace $0x90000046  }
0xb8: {  	s29 =	simm.s32 $0x9;
	_ =	strace $0x80000048  }
0xb9: {  	_ =	swait.ge [sflag:s29], $0x1  }
0xba: {  	[sflag:s29] =	ssyncadd.s32 $0xFFFFFFFF  }
0xbb: {  	_ =	strace $0x90000048  }
0xbc: {  	_ =	sfence  }
0xbd: {  	s30 =	sld [smem:$0x0];
	_ =	sdelay $0x2  }
0xbe: {  	s31 =	sshll.u32 s1, $0xD;
	s1 =	sshrl.u32 s1, $0x2  }
0xbf: {  	s3 =	sand.u32 $0x4000, s31;
	s1 =	sadd.s32 s1, s30  }
0xc0: {  	s0 =	sor.u32 s3, s0;
	s1 =	sshll.u32 s1, $0x11  }
0xc1: {  	s0 =	sor.u32 s1, s0  }
0xc2: {  	s0 =	sadd.s32 $0x8F2B, s0  }
0xc3: {  	[sflag:s0] =	ssyncadd.remote.s32 $0x1  }
0xc4: {  	_ =	sfence.sel $0xFFFF  }
0xc5: {  	[dreg:$0x0] =	wrdreg $0xFFFFFFFF;
	(pc) =	sbr.abs _section_cstart, $3  }
0xc6: {  	[dreg:$0x1] =	wrdreg $0xFFFFFFFF  }
0xc7: {  	_ =	task.clear_ibuf [dreg:s7], $0x2FFFF;
	_ =	strace $0x9FFFFFFF  }
0xc8: {  	(tm) =	ssettm $0x7FFFFFFF  }
0xc9: {  	_ =	shalt  }
tec
execute0_lowered:
.L_overlay_start_1:
0x0: {  	(tag) =	ssettag $0x1  }
0x1: {  	s4 =	rddreg [dreg:$0x0];
	s1 =	srdreg.scid  }
0x2: {  	s0 =	stileid.u32;
	s5 =	rddreg [dreg:$0x1];
	s2 =	simm.s32 $0x0  }
0x3: {  	s11 =	simm.s32 $0x80;
	s12 =	simm.s32 $0x100;
	s13 =	simm.s32 $0x1  }
0x4: {  	s14 =	simm.s32 $0x4100;
	s15 =	simm.s32 $0x8100;
	s16 =	simm.s32 $0x10100  }
0x5: {  	s17 =	simm.s32 $0x18100;
	s6 =	sand.u32 $0x1, s1;
	s1 =	rddreg [dreg:$0x2]  }
0x6: {  	s18 =	simm.s32 $0x0;
	s3 =	sshll.u32 s0, $0x1;
	[smem:$0x7FF] =	sst s2  }
0x7: {  	s7 =	sor.u32 s6, s3;
	_ =	strace $0x80000047;
	s3 =	sadd.s32 $0x20200, s4  }
0x8: {  	s6 =	ssub.s32 $0x2, s6;
	s8 =	sshll.u32 s7, $0xC;
	s9 =	sshll.u32 s7, $0x4  }
0x9: {  	s7 =	sshll.u32 s7, $0x5;
	s10 =	sshrl.u32 s6, $0x1;
	s8 =	sadd.s32 s8, s4  }
0xa: {  	s9 =	sadd.s32 s9, s4;
	s4 =	sadd.s32 s5, s7;
	s10 =	ssub.s32 s6, s10  }
0xb: {  	s5 =	sadd.s32 $0x10, s4;
	s6 =	sadd.s32 $0x200, s8;
	s7 =	sadd.s32 $0x40400, s8  }
0xc: {  	s8 =	sadd.s32 $0x40200, s9;
	s9 =	smax.u32 s10, $0x1;
	s10 =	simm.s32 $0x2  }
.LBB2_1:
0xd: {  	[tilespmem:s2], [sflag:$0x2] =	stream.linear.gather [hbm4b:s4+s2], $0x80, $0x38;
	[tilespmem:$0x18180] =	vst v63  }
0xe: {  	_ =	swait.ge [sflag:s10], $0x80  }
0xf: {  	[sflag:s10] =	ssyncset.done $0x0  }
0x10: {  	[sflag:s10] =	ssyncadd.s32 $0xFFFFFF80  }
0x11: {  	[tilespmem:s12], [sflag:$0x1] =	stream.indirect.gather [hbm4b:s3+s11], $0x80, s2, s11, $0xb8;
	[tilespmem:$0x18180] =	vst v63  }
0x12: {  	_ =	swait.ge [sflag:s13], $0x4000  }
0x13: {  	[sflag:s13] =	ssyncset.done $0x0  }
0x14: {  	[sflag:s13] =	ssyncadd.s32 $0xFFFFC000  }
0x15: {  	[tilespmem:s11], [sflag:$0x2] =	stream.linear.gather [hbm4b:s5+s2], $0x80, $0x38;
	[tilespmem:$0x18180] =	vst v63  }
0x16: {  	_ =	swait.ge [sflag:s10], $0x80  }
0x17: {  	[sflag:s10] =	ssyncset.done $0x0  }
0x18: {  	[sflag:s10] =	ssyncadd.s32 $0xFFFFFF80  }
0x19: {  	[tilespmem:s14], [sflag:$0x1] =	stream.indirect.gather [hbm4b:s3+s11], $0x80, s11, s11, $0xb8;
	[tilespmem:$0x18180] =	vst v63  }
0x1a: {  	_ =	swait.ge [sflag:s13], $0x4000  }
0x1b: {  	[sflag:s13] =	ssyncset.done $0x0  }
0x1c: {  	[sflag:s13] =	ssyncadd.s32 $0xFFFFC000  }
0x1d: {  	[tilespmem:s15], [sflag:$0x2] =	stream.linear.gather [hbm4b:s6+s2], $0x8000, $0x38;
	[tilespmem:$0x18180] =	vst v63  }
0x1e: {  	_ =	swait.ge [sflag:s10], $0x8000  }
0x1f: {  	[sflag:s10] =	ssyncset.done $0x0  }
0x20: {  	s20 =	simm.s32 $0x0;
	[sflag:s10] =	ssyncadd.s32 $0xFFFF8000  }
0x21: {  	v0 =	vld [tilespmem:s20+$0x110]  }
0x22: {  	v2 =	vld [tilespmem:s20+$0x8110]  }
0x23: {  	v4 =	vld [tilespmem:s20+$0x100]  }
0x24: {  	v5 =	vld [tilespmem:s20+$0x8100];
	_ =	sdelay $0x1  }
0x25: {  	s19 =	simm.s32 $0x80  }
0x26: {  	v1 =	vld [tilespmem:s19+$0x110];
	v6 =	vsub.f32 v0, v2  }
0x27: {  	v0 =	vld [tilespmem:s19+$0x8110]  }
0x28: {  	v3 =	vld [tilespmem:s19+$0x100];
	v7 =	vsub.f32 v4, v5;
	v8 =	vadd.f32 v6, v2;
	v9 =	vmul.f32 v6, v6  }
0x29: {  	v4 =	vimm.f32 $0.0e+00;
	v2 =	vld [tilespmem:s19+$0x8100]  }
0x2a: {  	s21 =	simm.s32 $0x400;
	v6 =	vadd.f32 v7, v5;
	v7 =	vmul.f32 v7, v7;
	[tilespmem:s20+$0x10110] =	vst v8;
	v5 =	vadd.f32 v9, v4  }
.LBB2_2:
0x2b: {  	s22 =	sshra.s32 s21, $0x2;
	p0 =	sne.s32 s21, $0x1FE00  }
.Ltmp0:
0x2c: {  	s21 =	sadd.s32 $0x200, s21;
	v8 =	vsub.f32 v1, v0;
	v1 =	vld [tilespmem:s22+$0x110];
	[tilespmem:s20+$0x10100] =	vst v6;
	v4 =	vadd.f32 v7, v4;
	v10 =	vmov v0;
	(pc) =	sbr.rel @p0 .LBB2_2-.Ltmp0, $4  }
0x2d: {  	s20 =	smov.u32 s19;
	s19 =	smov.u32 s22;
	v0 =	vld [tilespmem:s22+$0x8110]  }
0x2e: {  	v7 =	vsub.f32 v3, v2;
	v3 =	vld [tilespmem:s19+$0x100];
	v9 =	vadd.f32 v8, v10;
	v8 =	vmul.f32 v8, v8;
	v6 =	vmovc v2  }
0x2f: {  	v2 =	vld [tilespmem:s19+$0x8100]  }
0x30: {  	v6 =	vadd.f32 v7, v6;
	[tilespmem:s20+$0x10110] =	vst v9;
	v7 =	vmul.f32 v7, v7;
	v5 =	vadd.f32 v8, v5  }
0x31: {  	_ =	sdelay $0x2  }
0x32: {  	v1 =	vsub.f32 v1, v0;
	v3 =	vsub.f32 v3, v2;
	_ =	sdelay $0x1  }
0x33: {  	v4 =	vadd.f32 v7, v4;
	v61 =	vmul.f32 v1, v1;
	v8 =	vmul.f32 v3, v3  }
0x34: {  	v0 =	vadd.f32 v1, v0  }
0x35: {  	v62 =	vadd.f32 v61, v5;
	v4 =	vadd.f32 v8, v4  }
0x36: {  	[tilespmem:s20+$0x10100] =	vst v6;
	v2 =	vadd.f32 v3, v2  }
0x37: {  	[tilespmem:s19+$0x10110] =	vst v0;
	v63 =	vadd.f32 v62, v4  }
0x38: {  	[tilespmem:s19+$0x10100] =	vst v2  }
0x39: {  	[tilespmem:$0x18100] =	vst v63  }
0x3a: {  	[hbm4b:s7+s2] =	stream.linear.scatter [tilespmem:s16], [sflag:$0x2], $0x8000, $0x38;
	[tilespmem:$0x18180] =	vst v63  }
0x3b: {  	s18 =	sadd.s32 $0x1, s18;
	_ =	swait.ge [sflag:s10], $0x8000  }
0x3c: {  	p0 =	sne.s32 s18, s9;
	[sflag:s10] =	ssyncset.done $0x0  }
.Ltmp1:
0x3d: {  	[sflag:s10] =	ssyncadd.s32 $0xFFFF8000;
	(pc) =	sbr.rel @p0 .LBB2_1-.Ltmp1, $4  }
0x3e: {  	[hbm4b:s8+s2] =	stream.linear.scatter [tilespmem:s17], [sflag:$0x2], $0x80, $0x38;
	[tilespmem:$0x18180] =	vst v63  }
0x3f: {  	_ =	swait.ge [sflag:s10], $0x80  }
0x40: {  	[sflag:s10] =	ssyncset.done $0x0  }
0x41: {  	[sflag:s10] =	ssyncadd.s32 $0xFFFFFF80  }
0x42: {  	_ =	sfence.sel $0x180000  }
0x43: {  	[bflag:$0x0] =	sbarrier.arrive $0xFFFF  }
0x44: {  	p0 =	sne.s32 s0, $0x0;
	_ =	strace $0x90000047  }
0x45: {  	s0 =	sadd.s32 @!p0 $0x100000, s1;
	[bflag:$0x2] =	sbarrier.arrive $0xFFFF  }
0x46: {  	[sflag:s0] =	ssyncadd.tile.s32 @!p0 $0x1;
	_ =	shalt  }
.Lfunc_end2:
_tile_overlayer_lowered:
.L_overlay_start_2:
0x47: {  	(tag) =	ssettag $0x2  }
0x48: {  	s0 =	rddreg [dreg:$0x0];
	s2 =	stileid.u32  }
0x49: {  	s1 =	rddreg [dreg:$0x1];
	p0 =	sne.s32 s2, $0x0  }
0x4a: {  	s3 =	rddreg [dreg:$0x2];
	[bflag:$0x3] =	sbarrier.arrive $0xFFFF;
	s2 =	simm.s32 @!p0 $0x1C02  }
0x4b: {  	[timem:s3], [sflag:s2] =	dma.local @!p0 [hbm:s0], s1  }
0x4c: {  	s0 =	simm.s32 @!p0 $0x2  }
0x4d: {  	_ =	swait.ge @!p0 [sflag:s0], s1  }
0x4e: {  	s1 =	ssub.s32 @!p0 $0x0, s1;
	[sflag:s0] =	ssyncset.done @!p0 $0x0  }
0x4f: {  	[sflag:s0] =	ssyncadd.s32 @!p0 s1  }
0x50: {  	[bflag:$0x3] =	sbarrier.arrive $0xFFFF  }
0x51: {  	_ =	shalt  }

</sc_bundles>
